<compile_context>
chip_gen: v7x
topology: tpu7x:2x2x1
jax: 0.10.2.dev20260603
libtpu: 0.0.44.dev20260713+nightly
codegen_flags: <defaults>
</compile_context>

<pallas_src>
import jax
import jax.numpy as jnp
from jax import lax
from jax.experimental import pallas as pl
from jax.experimental.pallas import tpu as pltpu
from jax.experimental.pallas import tpu_sc as plsc

NUM_EMBEDDINGS = 16 * 1024 * 1024
EMBEDDING_DIM = 4
BATCH = 16384
N_FIELDS = 100

TOTAL = BATCH * N_FIELDS
NUM_WORKERS = 32
PER_WORKER = TOTAL // NUM_WORKERS
CHUNK = 6_400
NUM_CHUNKS = PER_WORKER // CHUNK
LANES = 16
SEL_ITERS = CHUNK * EMBEDDING_DIM // LANES


def _sc_body(idx_hbm, table8_hbm, out_hbm, idx_v, sidx_v, rows_v, sel_v, sem):
    wid = lax.axis_index("s") * 2 + lax.axis_index("c")
    base_w = wid * PER_WORKER

    lane = lax.iota(jnp.int32, LANES)
    l4 = lax.shift_right_logical(lane, 2)
    w4 = lane & 3

    def chunk_step(c, carry):
        base = base_w + c * CHUNK
        pltpu.sync_copy(idx_hbm.at[pl.ds(base, CHUNK)], idx_v)

        def shift(i, c2):
            sidx_v[pl.ds(i * LANES, LANES)] = lax.shift_right_logical(
                idx_v[pl.ds(i * LANES, LANES)], 1
            )
            return c2

        lax.fori_loop(0, CHUNK // LANES, shift, 0)
        pltpu.async_copy(table8_hbm.at[sidx_v], rows_v, sem).wait()

        def select(i, c2):
            row = i * 4 + l4
            par = plsc.load_gather(idx_v, [row]) & 1
            col = par * 4 + w4
            sel_v[pl.ds(i * LANES, LANES)] = plsc.load_gather(
                rows_v, [row, col]
            )
            return c2

        lax.fori_loop(0, SEL_ITERS, select, 0)
        pltpu.sync_copy(
            sel_v,
            out_hbm.at[pl.ds(base * EMBEDDING_DIM, CHUNK * EMBEDDING_DIM)],
        )
        return carry

    lax.fori_loop(0, NUM_CHUNKS, chunk_step, 0)


def _sc_gather(idx_flat, table8):
    mesh = plsc.VectorSubcoreMesh(core_axis_name="c", subcore_axis_name="s")
    return pl.kernel(
        _sc_body,
        out_type=jax.ShapeDtypeStruct((TOTAL * EMBEDDING_DIM,), jnp.float32),
        mesh=mesh,
        scratch_types=[
            pltpu.VMEM((CHUNK,), jnp.int32),
            pltpu.VMEM((CHUNK,), jnp.int32),
            pltpu.VMEM((CHUNK, 2 * EMBEDDING_DIM), jnp.float32),
            pltpu.VMEM((CHUNK * EMBEDDING_DIM,), jnp.float32),
            pltpu.SemaphoreType.DMA,
        ],
        compiler_params=pltpu.CompilerParams(
            use_tc_tiling_on_sc=False, needs_layout_passes=False
        ),
    )(idx_flat, table8)


@jax.jit
def _run(x, table):
    idx_flat = x.reshape(TOTAL)
    one = jnp.where(x[0, 0] < jnp.int32(NUM_EMBEDDINGS * 2), 1.0, 2.0)
    table8 = (table * one).reshape(NUM_EMBEDDINGS // 2, 2 * EMBEDDING_DIM)
    out = _sc_gather(idx_flat, table8)
    return out.reshape(BATCH, N_FIELDS, EMBEDDING_DIM)


def kernel(x, table):
    return _run(x, table)

# --- scband reference (transcript-rebuilt; emitter-appended) ---
"""Pipeline reference for scband-toy-model-sparse-64158221467939 (READ-ONLY COPY).

The authoritative reference and input builder live on the scoring server;
editing this copy changes nothing except your own understanding.
"""

import jax, jax.numpy as jnp
import numpy as np

NUM_EMBEDDINGS = 16 * 1024 * 1024
EMBEDDING_DIM = 4
BATCH = 16384
N_FIELDS = 100


def setup_inputs(seed: int = 0) -> dict:
    key = jax.random.key(seed)
    k_idx, k_tab = jax.random.split(key)
    x = jax.random.randint(k_idx, (BATCH, N_FIELDS), 0, NUM_EMBEDDINGS, dtype=jnp.int32)
    # learned embedding table (nn.Embedding weight)
    table = jax.random.normal(k_tab, (NUM_EMBEDDINGS, EMBEDDING_DIM), dtype=jnp.float32)
    return {"x": x, "table": table}


def reference(x, table):
    # nn.Embedding forward: row gather from the table
    return jnp.take(table, x, axis=0)

if __name__ == "__main__":
    import jax
    _d = setup_inputs()
    print(jax.jit(kernel)(*tuple(_d.values())))

</pallas_src>

<mosaic_0001>
#map = affine_map<(d0, d1) -> (0)>
#map1 = affine_map<(d0, d1) -> (0, 0)>
module attributes {stable_mosaic.version = 14 : i64} {
  func.func @_sc_body(%arg0: i32, %arg1: i32, %arg2: memref<1638400xi32, #tpu.memory_space<hbm>>, %arg3: memref<8388608x8xf32, #tpu.memory_space<hbm>>, %arg4: memref<6553600xf32, #tpu.memory_space<hbm>>, %arg5: memref<6400xi32, #tpu.memory_space<vmem>>, %arg6: memref<6400xi32, #tpu.memory_space<vmem>>, %arg7: memref<6400x8xf32, #tpu.memory_space<vmem>>, %arg8: memref<25600xf32, #tpu.memory_space<vmem>>, %arg9: memref<!tpu.dma_semaphore, #tpu.memory_space<semaphore_mem>>) attributes {dimension_semantics = [#tpu.dimension_semantics<core_parallel>, #tpu.dimension_semantics<subcore_parallel>], iteration_bounds = array<i64: 2, 16>, scalar_prefetch = 0 : i64, scratch_operands = 5 : i64, tpu.core_type = #tpu.core_type<sc_vector_subcore>, window_params = [{transform_indices = #map}, {transform_indices = #map1}, {transform_indices = #map}]} {
    %mul3A = arith.constant 2 : i32
    %mul3A_0 = arith.muli %arg1, %mul3A : i32
    %add3A = arith.addi %mul3A_0, %arg0 : i32
    %mul3A_1 = arith.constant 51200 : i32
    %mul3A_2 = arith.muli %add3A, %mul3A_1 : i32
    %iota3A = tpu.iota {dimensions = array<i32: 0>} : vector<16xi32>
    %shift_right_logical3A = arith.constant 2 : i32
    %shift_right_logical3A_3 = vector.broadcast %shift_right_logical3A : i32 to vector<16xi32>
    %shift_right_logical3A_4 = arith.shrui %iota3A, %shift_right_logical3A_3 : vector<16xi32>
    %and3A = arith.constant 3 : i32
    %and3A_5 = vector.broadcast %and3A : i32 to vector<16xi32>
    %and3A_6 = arith.andi %iota3A, %and3A_5 : vector<16xi32>
    %scan3A = arith.constant 0 : i32
    %scan3A_7 = arith.constant 0 : i32
    %scan3A_8 = arith.constant 8 : i32
    %scan3A_9 = arith.addi %scan3A_7, %scan3A_8 : i32
    %scan3A_10 = arith.constant 1 : i32
    scf.for %scan3A_12 = %scan3A_7 to %scan3A_9 step %scan3A_10  : i32 {
      %mul3A_13 = arith.constant 6400 : i32
      %mul3A_14 = arith.muli %scan3A_12, %mul3A_13 : i32
      %add3A_15 = arith.addi %mul3A_2, %mul3A_14 : i32
      "tpu.region"() ({
        %run_scoped3A = tpu.sem_alloc : memref<!tpu.dma_semaphore, #tpu.memory_space<semaphore_mem>>
        %dma_start3A_34 = tpu.memref_slice %arg2[%add3A_15] : memref<1638400xi32, #tpu.memory_space<hbm>> -> memref<6400xi32, #tpu.memory_space<hbm>>
        %dma_start3A_35 = tpu.memref_slice %arg2[%add3A_15] : memref<1638400xi32, #tpu.memory_space<hbm>> -> memref<6400xi32, #tpu.memory_space<hbm>>
        tpu.enqueue_dma source(%dma_start3A_35 : memref<6400xi32, #tpu.memory_space<hbm>>) target(%arg5 : memref<6400xi32, #tpu.memory_space<vmem>>) target_semaphore(%run_scoped3A : memref<!tpu.dma_semaphore, #tpu.memory_space<semaphore_mem>>)
        %dma_wait3A_36 = tpu.memref_slice %arg2[%add3A_15] : memref<1638400xi32, #tpu.memory_space<hbm>> -> memref<6400xi32, #tpu.memory_space<hbm>>
        %dma_wait3A_37 = tpu.memref_slice %arg2[%add3A_15] : memref<1638400xi32, #tpu.memory_space<hbm>> -> memref<6400xi32, #tpu.memory_space<hbm>>
        tpu.wait_dma2 semaphore(%run_scoped3A : memref<!tpu.dma_semaphore, #tpu.memory_space<semaphore_mem>>) src(%dma_wait3A_37 : memref<6400xi32, #tpu.memory_space<hbm>>) dst(%arg5 : memref<6400xi32, #tpu.memory_space<vmem>>)
        tpu.yield
      }) : () -> ()
      %scan3A_16 = arith.constant 0 : i32
      %scan3A_17 = arith.constant 0 : i32
      %scan3A_18 = arith.constant 400 : i32
      %scan3A_19 = arith.addi %scan3A_17, %scan3A_18 : i32
      %scan3A_20 = arith.constant 1 : i32
      scf.for %scan3A_34 = %scan3A_17 to %scan3A_19 step %scan3A_20  : i32 {
        %mul3A_35 = arith.constant 16 : i32
        %mul3A_36 = arith.muli %scan3A_34, %mul3A_35 : i32
        %get3A = arith.index_cast %mul3A_36 : i32 to index
        %get3A_37 = tpu.vector_load %arg5[%get3A] {strides = array<i32>} : memref<6400xi32, #tpu.memory_space<vmem>>, vector<16xi32>,
        %shift_right_logical3A_38 = arith.constant 1 : i32
        %shift_right_logical3A_39 = vector.broadcast %shift_right_logical3A_38 : i32 to vector<16xi32>
        %shift_right_logical3A_40 = arith.shrui %get3A_37, %shift_right_logical3A_39 : vector<16xi32>
        %mul3A_41 = arith.constant 16 : i32
        %mul3A_42 = arith.muli %scan3A_34, %mul3A_41 : i32
        %swap3A = arith.index_cast %mul3A_42 : i32 to index
        %swap3A_43 = tpu.vector_load %arg6[%swap3A] {strides = array<i32>} : memref<6400xi32, #tpu.memory_space<vmem>>, vector<16xi32>,
        tpu.vector_store %arg6[%swap3A], %shift_right_logical3A_40 {strides = array<i32>} : memref<6400xi32, #tpu.memory_space<vmem>>, vector<16xi32>,
      }
      %scan3A_21 = arith.constant 400 : i32
      %dma_start3A = arith.constant 0 : i32
      %dma_start3A_22 = arith.constant 0 : i32
      %dma_start3A_23 = tpu.memref_slice %arg3[%dma_start3A, %dma_start3A_22] : memref<8388608x8xf32, #tpu.memory_space<hbm>> -> memref<8388608x8xf32, #tpu.memory_space<hbm>>
      tpu.enqueue_indirect_dma source(%dma_start3A_23 : memref<8388608x8xf32, #tpu.memory_space<hbm>>) target(%arg7 : memref<6400x8xf32, #tpu.memory_space<vmem>>) offsets(%arg6 : memref<6400xi32, #tpu.memory_space<vmem>>) semaphore(%arg9 : memref<!tpu.dma_semaphore, #tpu.memory_space<semaphore_mem>>)
      %dma_wait3A = arith.constant 0 : i32
      %dma_wait3A_24 = arith.constant 0 : i32
      %dma_wait3A_25 = tpu.memref_slice %arg3[%dma_wait3A, %dma_wait3A_24] : memref<8388608x8xf32, #tpu.memory_space<hbm>> -> memref<8388608x8xf32, #tpu.memory_space<hbm>>
      tpu.wait_indirect_dma semaphore(%arg9 : memref<!tpu.dma_semaphore, #tpu.memory_space<semaphore_mem>>) src(%dma_wait3A_25 : memref<8388608x8xf32, #tpu.memory_space<hbm>>) dst(%arg7 : memref<6400x8xf32, #tpu.memory_space<vmem>>)
      %scan3A_26 = arith.constant 0 : i32
      %scan3A_27 = arith.constant 0 : i32
      %scan3A_28 = arith.constant 1600 : i32
      %scan3A_29 = arith.addi %scan3A_27, %scan3A_28 : i32
      %scan3A_30 = arith.constant 1 : i32
      scf.for %scan3A_34 = %scan3A_27 to %scan3A_29 step %scan3A_30  : i32 {
        %mul3A_35 = arith.constant 4 : i32
        %mul3A_36 = arith.muli %scan3A_34, %mul3A_35 : i32
        %add3A_37 = vector.broadcast %mul3A_36 : i32 to vector<16xi32>
        %add3A_38 = arith.addi %add3A_37, %shift_right_logical3A_4 : vector<16xi32>
        %gather3A = tpu.vector_load_idx %arg5[%add3A_38] : memref<6400xi32, #tpu.memory_space<vmem>>[vector<16xi32>], vector<16xi32>,
        %and3A_39 = arith.constant 1 : i32
        %and3A_40 = vector.broadcast %and3A_39 : i32 to vector<16xi32>
        %and3A_41 = arith.andi %gather3A, %and3A_40 : vector<16xi32>
        %mul3A_42 = arith.constant 4 : i32
        %mul3A_43 = vector.broadcast %mul3A_42 : i32 to vector<16xi32>
        %mul3A_44 = arith.muli %and3A_41, %mul3A_43 : vector<16xi32>
        %add3A_45 = arith.addi %mul3A_44, %and3A_6 : vector<16xi32>
        %gather3A_46 = tpu.vector_load_idx %arg7[%add3A_38, %add3A_45] : memref<6400x8xf32, #tpu.memory_space<vmem>>[vector<16xi32>, vector<16xi32>], vector<16xf32>,
        %mul3A_47 = arith.constant 16 : i32
        %mul3A_48 = arith.muli %scan3A_34, %mul3A_47 : i32
        %swap3A = arith.index_cast %mul3A_48 : i32 to index
        %swap3A_49 = tpu.vector_load %arg8[%swap3A] {strides = array<i32>} : memref<25600xf32, #tpu.memory_space<vmem>>, vector<16xf32>,
        tpu.vector_store %arg8[%swap3A], %gather3A_46 {strides = array<i32>} : memref<25600xf32, #tpu.memory_space<vmem>>, vector<16xf32>,
      }
      %scan3A_31 = arith.constant 1600 : i32
      %mul3A_32 = arith.constant 4 : i32
      %mul3A_33 = arith.muli %add3A_15, %mul3A_32 : i32
      "tpu.region"() ({
        %run_scoped3A = tpu.sem_alloc : memref<!tpu.dma_semaphore, #tpu.memory_space<semaphore_mem>>
        %dma_start3A_34 = tpu.memref_slice %arg4[%mul3A_33] : memref<6553600xf32, #tpu.memory_space<hbm>> -> memref<25600xf32, #tpu.memory_space<hbm>>
        %dma_start3A_35 = tpu.memref_slice %arg4[%mul3A_33] : memref<6553600xf32, #tpu.memory_space<hbm>> -> memref<25600xf32, #tpu.memory_space<hbm>>
        tpu.enqueue_dma source(%arg8 : memref<25600xf32, #tpu.memory_space<vmem>>) target(%dma_start3A_35 : memref<25600xf32, #tpu.memory_space<hbm>>) target_semaphore(%run_scoped3A : memref<!tpu.dma_semaphore, #tpu.memory_space<semaphore_mem>>)
        %dma_wait3A_36 = tpu.memref_slice %arg4[%mul3A_33] : memref<6553600xf32, #tpu.memory_space<hbm>> -> memref<25600xf32, #tpu.memory_space<hbm>>
        %dma_wait3A_37 = tpu.memref_slice %arg4[%mul3A_33] : memref<6553600xf32, #tpu.memory_space<hbm>> -> memref<25600xf32, #tpu.memory_space<hbm>>
        tpu.wait_dma2 semaphore(%run_scoped3A : memref<!tpu.dma_semaphore, #tpu.memory_space<semaphore_mem>>) src(%arg8 : memref<25600xf32, #tpu.memory_space<vmem>>) dst(%dma_wait3A_37 : memref<25600xf32, #tpu.memory_space<hbm>>)
        tpu.yield
      }) : () -> ()
    }
    %scan3A_11 = arith.constant 8 : i32
    return
  }
}

</mosaic_0001>

<sc_bundles>
// kernel: _run.3.cloned.1.call-start
scs
__scs_entry_jumppad:
0x0: {  	(pc) =	sbr.rel $0x88, $3  }
0x1: {  	(tag) =	ssettag $0x0;
	lr =	simm.s32 $0x1  }
0x2: {  	[smem:$0x3F9F] =	sst lr;
	_ =	strace $0xD0000000  }
0x3: {  	_ = 	snop  }
0x4: {  	_ = 	snop  }
0x5: {  	_ = 	snop  }
0x6: {  	_ = 	snop  }
0x7: {  	_ = 	snop  }
__scs_overlays_trampoline_lowered:
0x8: {  	[smem:$0x3FAE] =	sst s0  }
0x9: {  	[smem:$0x3FAF] =	sst s1  }
0xa: {  	[smem:$0x3FB0] =	sst s2  }
0xb: {  	[smem:$0x3FB1] =	sst s3  }
0xc: {  	[smem:$0x3FB2] =	sst s4  }
0xd: {  	[smem:$0x3FB3] =	sst s5  }
0xe: {  	[smem:$0x3FB4] =	sst s6  }
0xf: {  	[smem:$0x3FB5] =	sst s7  }
0x10: {  	[smem:$0x3FB6] =	sst s8  }
0x11: {  	[smem:$0x3FB7] =	sst s9;
	s0 =	simm.s32 @!p0 $0x0  }
0x12: {  	s1 =	sld [smem:$0x3F9D];
	s0 =	simm.s32 @p0 $0x1  }
0x13: {  	[smem:$0x3FB8] =	sst s0;
	s0 =	simm.s32 @!p1 $0x0  }
0x14: {  	s2 =	sld [smem:$0x3F9C];
	s0 =	simm.s32 @p1 $0x1  }
0x15: {  	[smem:$0x3FB9] =	sst s0;
	s0 =	simm.s32 @!p2 $0x0  }
0x16: {  	s3 =	sld [smem:$0x3FDB];
	s0 =	simm.s32 @p2 $0x1  }
0x17: {  	s4 =	simm.s32 $0x1BF5;
	[smem:$0x3FBB] =	sst s0  }
0x18: {  	s0 =	sld [smem:$0x3F9E];
	_ =	swait.ge [sflag:s4], $0x0  }
0x19: {  	s7 =	sld [smem:$0x3F9F]  }
0x1a: {  	s8 =	sadd.s32 $0xFFFFE003, lr  }
0x1b: {  	s9 =	sadd.s32 $0xFFFFFEF7, lr;
	s5 =	simm.s32 $0xFFFFFFFF;
	p2 =	slt.u32 s8, $0xFFFFF086  }
0x1c: {  	p1 =	slt.u32 s9, $0xF7A;
	s5 =	simm.s32 @!p2 $0x0  }
0x1d: {  	s5 =	simm.s32 @p1 $0x1;
	p0 =	seq.s32 s7, s2  }
0x1e: {  	s7 =	smul.u32 @!p0 $0xF7A, s2;
	p2 =	seq.s32 @!p0 s5, $0x0  }
0x1f: {  	s9 =	smul.u32 $0xF7A, s1;
	s8 =	simm.s32 @!p0 $0x1BF5;
	p2 =	por !p2, p0  }
0x20: {  	[sflag:s8] =	ssyncset.s32 @!p0 $0xFFFFF086;
	s6 =	sadd.s32 @!p0 s3, s7;
	s7 =	simm.s32 @!p0 $0x108  }
0x21: {  	s3 =	sadd.s32 s3, s9;
	s6 =	sadd.s32 @!p0 $0x88, s6;
	s7 =	simm.s32 @p2 $0x1082  }
0x22: {  	[simem:s7], [sflag:s8] =	dma.local @!p0 [hbm:s6], $0xF7A  }
0x23: {  	s9 =	sor.u32 $0xD0000000, s2;
	s6 =	simm.s32 $0x108;
	_ =	swait.ge @!p0 [sflag:s8], $0x0  }
0x24: {  	s3 =	sadd.s32 $0x88, s3;
	s6 =	simm.s32 @!p1 $0x1082;
	[sflag:s4] =	ssyncset.s32 $0xFFFFF086  }
0x25: {  	[simem:s6], [sflag:s4] =	dma.local [hbm:s3], $0xF7A  }
0x26: {  	[smem:$0x3F9F] =	sst s1;
	(tag) =	ssettag s2;
	_ =	strace s9  }
0x27: {  	s1 =	sld [smem:$0x3FAF]  }
0x28: {  	s2 =	sld [smem:$0x3FB0]  }
0x29: {  	s4 =	sld [smem:$0x3FB2]  }
0x2a: {  	p0 =	seq.s32 s5, $0x0;
	s5 =	sld [smem:$0x3FB3]  }
0x2b: {  	s6 =	sld [smem:$0x3FB4]  }
0x2c: {  	s7 =	sld [smem:$0x3FB5]  }
0x2d: {  	s3 =	simm.s32 $0x108;
	s8 =	sld [smem:$0x3FB6]  }
0x2e: {  	s3 =	simm.s32 @!p0 $0x1082;
	s9 =	sld [smem:$0x3FB7]  }
0x2f: {  	lr =	sadd.s32 s0, s3;
	s0 =	sld [smem:$0x3FAE]  }
0x30: {  	s3 =	sld [smem:$0x3FB1]  }
0x31: {  	[smem:$0x3FBA] =	sst s10  }
0x32: {  	s10 =	sld [smem:$0x3FB8];
	_ =	sdelay $0x3  }
0x33: {  	p0 =	seq.s32 s10, $0x1;
	s10 =	sld [smem:$0x3FBA];
	_ =	sdelay $0x3  }
0x34: {  	[smem:$0x3FBA] =	sst s10  }
0x35: {  	s10 =	sld [smem:$0x3FB9];
	_ =	sdelay $0x3  }
0x36: {  	p1 =	seq.s32 s10, $0x1;
	s10 =	sld [smem:$0x3FBA];
	_ =	sdelay $0x3  }
0x37: {  	[smem:$0x3FBA] =	sst s10  }
0x38: {  	s10 =	sld [smem:$0x3FBB]  }
0x39: {  	_ = 	snop;
	(pc) =	sbr.ind lr, $3  }
0x3a: {  	_ = 	snop  }
0x3b: {  	_ = 	snop  }
0x3c: {  	p2 =	seq.s32 s10, $0x1;
	s10 =	sld [smem:$0x3FBA]  }
0x3d: {  	_ =	shalt  }
0x3e: {  	_ =	shalt  }
0x3f: {  	_ =	shalt  }
0x40: {  	_ =	shalt  }
0x41: {  	_ =	shalt  }
0x42: {  	_ =	shalt  }
0x43: {  	_ =	shalt  }
0x44: {  	_ =	shalt  }
0x45: {  	_ =	shalt  }
0x46: {  	_ =	shalt  }
0x47: {  	_ =	shalt  }
0x48: {  	_ =	shalt  }
0x49: {  	_ =	shalt  }
0x4a: {  	_ =	shalt  }
0x4b: {  	_ =	shalt  }
0x4c: {  	_ =	shalt  }
0x4d: {  	_ =	shalt  }
0x4e: {  	_ =	shalt  }
0x4f: {  	_ =	shalt  }
0x50: {  	_ =	shalt  }
0x51: {  	_ =	shalt  }
0x52: {  	_ =	shalt  }
0x53: {  	_ =	shalt  }
0x54: {  	_ =	shalt  }
0x55: {  	_ =	shalt  }
0x56: {  	_ =	shalt  }
0x57: {  	_ =	shalt  }
0x58: {  	_ =	shalt  }
0x59: {  	_ =	shalt  }
0x5a: {  	_ =	shalt  }
0x5b: {  	_ =	shalt  }
0x5c: {  	_ =	shalt  }
0x5d: {  	_ =	shalt  }
0x5e: {  	_ =	shalt  }
0x5f: {  	_ =	shalt  }
0x60: {  	_ =	shalt  }
0x61: {  	_ =	shalt  }
0x62: {  	_ =	shalt  }
0x63: {  	_ =	shalt  }
0x64: {  	_ =	shalt  }
0x65: {  	_ =	shalt  }
0x66: {  	_ =	shalt  }
0x67: {  	_ =	shalt  }
0x68: {  	_ =	shalt  }
0x69: {  	_ =	shalt  }
0x6a: {  	_ =	shalt  }
0x6b: {  	_ =	shalt  }
0x6c: {  	_ =	shalt  }
0x6d: {  	_ =	shalt  }
0x6e: {  	_ =	shalt  }
0x6f: {  	_ =	shalt  }
0x70: {  	_ =	shalt  }
0x71: {  	_ =	shalt  }
0x72: {  	_ =	shalt  }
0x73: {  	_ =	shalt  }
0x74: {  	_ =	shalt  }
0x75: {  	_ =	shalt  }
0x76: {  	_ =	shalt  }
0x77: {  	_ =	shalt  }
0x78: {  	_ =	shalt  }
0x79: {  	_ =	shalt  }
0x7a: {  	_ =	shalt  }
0x7b: {  	_ =	shalt  }
0x7c: {  	_ =	shalt  }
0x7d: {  	_ =	shalt  }
0x7e: {  	_ =	shalt  }
0x7f: {  	_ =	shalt  }
0x80: {  	_ =	shalt  }
0x81: {  	_ =	shalt  }
0x82: {  	_ =	shalt  }
0x83: {  	_ =	shalt  }
0x84: {  	_ =	shalt  }
0x85: {  	_ =	shalt  }
0x86: {  	_ =	shalt  }
0x87: {  	_ =	shalt  }
.Lfunc_end0:
.L_simem_size_0:
called_computation.1_lowered:
.L_overlay_start_0:
0x88: {  	s2 =	sld [smem:$0x3FD9]  }
0x89: {  	s3 =	sld [smem:$0x3FFE];
	_ =	sdelay $0x1  }
0x8a: {  	s1 =	srdreg.scid  }
0x8b: {  	s0 =	sand.u32 $0x1, s1  }
0x8c: {  	s17 =	sshll.u32 s0, $0xA;
	s2 =	sadd.s32 s3, s2  }
0x8d: {  	s2 =	sadd.s32 s2, s17  }
0x8e: {  	[smem:$0x3FC6] =	sst s2  }
0x8f: {  	_ = 	snop  }
0x90: {  	s2 =	sld [smem:$0x3FD0];
	(tm) =	ssettm $0x1  }
0x91: {  	s18 =	sld [smem:$0x3FFB];
	_ =	sdelay $0x3  }
0x92: {  	_ =	strace s18  }
0x93: {  	s3 =	sld [smem:$0x3FFC];
	_ =	sdelay $0x3  }
0x94: {  	_ =	strace s3  }
0x95: {  	s3 =	sld [smem:$0x3FFD];
	_ =	sdelay $0x3  }
0x96: {  	_ =	strace s3  }
0x97: {  	_ =	strace $0x8FFFFFFF  }
0x98: {  	s19 =	sld [smem:$0x3FDB];
	_ =	sdelay $0x1  }
0x99: {  	s4 =	simm.s32 $_scs_section_size  }
0x9a: {  	s5 =	simm.s32 $_size__tile_overlayer_lowered;
	s6 =	simm.s32 $_tile_overlayer_lowered  }
0x9b: {  	s22 =	simm.s32 $0x1BFF;
	s21 =	sshll.u32 s6, $0x1;
	s3 =	sadd.s32 s4, s19  }
0x9c: {  	s7 =	simm.s32 $0x0;
	s20 =	sshll.u32 s5, $0x1;
	s5 =	sadd.s32 s21, s3  }
0x9d: {  	[timem:s7], [sflag:s22] =	dma.local [hbm:s5], s20  }
0x9e: {  	_ =	swait.ge [sflag:s22], s20  }
0x9f: {  	s4 =	ssub.s32 $0x0, s20;
	[sflag:s22] =	ssyncset.done $0x0  }
0xa0: {  	[sflag:s22] =	ssyncadd.s32 s4;
	_ =	sdelay $0x1  }
0xa1: {  	s23 =	simm.s32 $0x1B8B  }
0xa2: {  	_ =	swait.ge [sflag:s23], $0x1  }
0xa3: {  	[sflag:s23] =	ssyncset.done $0x0  }
0xa4: {  	s25 =	simm.s32 $0x1B8E;
	s24 =	sld [smem:$0x3FFE];
	[sflag:s23] =	ssyncadd.s32 $0xFFFFFFFF  }
0xa5: {  	s26 =	simm.s32 $execute0_lowered;
	[smem:$0x3FD2] =	sst s25  }
0xa6: {  	s5 =	sshll.u32 s26, $0x1;
	_ =	strace $0x80000049;
	[dreg:$0x1] =	wrdreg $0xFFFFFFFF  }
0xa7: {  	s28 =	simm.s32 $_size_execute0_lowered;
	s3 =	sadd.s32 s3, s5;
	[dreg:$0x0] =	wrdreg $0x0  }
0xa8: {  	s5 =	sshll.u32 s28, $0x1;
	[dreg:$0x2] =	wrdreg s3  }
0xa9: {  	[dreg:$0x3] =	wrdreg s5  }
0xaa: {  	[dreg:$0x4] =	wrdreg $0xC0  }
0xab: {  	_ =	task [dreg:s7], $0x5FFFF  }
0xac: {  	[dreg:$0x1] =	wrdreg $0xFFFFFFFF  }
0xad: {  	[dreg:$0x0] =	wrdreg $0x60  }
0xae: {  	[dreg:$0x2] =	wrdreg s24  }
0xaf: {  	[dreg:$0x3] =	wrdreg s2  }
0xb0: {  	[dreg:$0x4] =	wrdreg $0x9  }
0xb1: {  	_ =	task.clear_ibuf [dreg:s7], $0x5FFFF;
	_ =	strace $0x90000049  }
0xb2: {  	s29 =	simm.s32 $0x9;
	_ =	strace $0x8000004B  }
0xb3: {  	_ =	swait.ge [sflag:s29], $0x1  }
0xb4: {  	[sflag:s29] =	ssyncadd.s32 $0xFFFFFFFF  }
0xb5: {  	_ =	strace $0x9000004B  }
0xb6: {  	_ =	sfence  }
0xb7: {  	s30 =	sld [smem:$0x0];
	_ =	sdelay $0x2  }
0xb8: {  	s31 =	sshll.u32 s1, $0xD;
	s1 =	sshrl.u32 s1, $0x2  }
0xb9: {  	s3 =	sand.u32 $0x4000, s31;
	s1 =	sadd.s32 s1, s30  }
0xba: {  	s0 =	sor.u32 s3, s0;
	s1 =	sshll.u32 s1, $0x11  }
0xbb: {  	s0 =	sor.u32 s1, s0  }
0xbc: {  	s0 =	sadd.s32 $0x8F2B, s0  }
0xbd: {  	[sflag:s0] =	ssyncadd.remote.s32 $0x1  }
0xbe: {  	_ =	sfence.sel $0xFFFF  }
0xbf: {  	[dreg:$0x0] =	wrdreg $0xFFFFFFFF;
	(pc) =	sbr.abs _section_cstart, $3  }
0xc0: {  	[dreg:$0x1] =	wrdreg $0xFFFFFFFF  }
0xc1: {  	_ =	task.clear_ibuf [dreg:s7], $0x2FFFF;
	_ =	strace $0x9FFFFFFF  }
0xc2: {  	(tm) =	ssettm $0x7FFFFFFF  }
0xc3: {  	_ =	shalt  }
tec
execute0_lowered:
.L_overlay_start_1:
0x0: {  	(tag) =	ssettag $0x1  }
0x1: {  	s5 =	rddreg [dreg:$0x0]  }
0x2: {  	s1 =	rddreg [dreg:$0x1];
	s2 =	srdreg.scid  }
0x3: {  	s0 =	rddreg [dreg:$0x2];
	s3 =	simm.s32 $0x0;
	s10 =	simm.s32 $0x3200  }
0x4: {  	s11 =	simm.s32 $0x1;
	s12 =	simm.s32 $0xFA00;
	s13 =	simm.s32 $0x0  }
0x5: {  	s6 =	sand.u32 $0x1, s2;
	[smem:$0x7FF] =	sst s3;
	s2 =	stileid.u32  }
0x6: {  	s4 =	sadd.s32 $0x10800A00, s5;
	s5 =	sadd.s32 $0xA00, s5;
	s7 =	ssub.s32 $0x2, s6  }
0x7: {  	_ =	strace $0x8000004A;
	s9 =	sshll.u32 s2, $0x1;
	s8 =	sshrl.u32 s7, $0x1  }
0x8: {  	v1 =	vlaneseq.u32;
	s6 =	sor.u32 s6, s9;
	s9 =	simm.s32 $0x1900;
	s7 =	ssub.s32 s7, s8  }
0x9: {  	v0 =	vshrl.u32 v1, $0x2;
	v1 =	vand.u32 $0x3, v1;
	s6 =	smul.u32 $0xC800, s6;
	s8 =	simm.s32 $0x2;
	s7 =	smax.u32 s7, $0x1  }
.LBB2_1:
0xa: {  	s14 =	simm.s32 $0x0  }
.LBB2_2:
0xb: {  	s15 =	smul.u32 $0x1900, s14;
	_ =	sdelay $0x1  }
0xc: {  	s15 =	sadd.s32 s6, s15  }
0xd: {  	s16 =	sshrl.u32 s15, $0x3  }
0xe: {  	s17 =	simm.s32 $0x0;
	s16 =	sadd.s32 s4, s16  }
0xf: {  	[tilespmem:s17], [sflag:$0x2] =	stream.linear.gather [hbm4b:s16+s17], $0x1900, $0x38;
	[tilespmem:$0x15E00] =	vst v63  }
0x10: {  	_ =	swait.ge [sflag:s8], $0x1900  }
0x11: {  	[sflag:s8] =	ssyncset.done $0x0  }
0x12: {  	s16 =	simm.s32 $0x0;
	[sflag:s8] =	ssyncadd.s32 $0xFFFFE700  }
0x13: {  	s17 =	simm.s32 $0x40;
	v2 =	vld [tilespmem:s16+$0x0]  }
.LBB2_3:
0x14: {  	p0 =	sne.s32 s17, $0x63C0  }
.Ltmp0:
0x15: {  	_ = 	snop;
	(pc) =	sbr.rel @p0 .LBB2_3-.Ltmp0, $3  }
0x16: {  	_ =	sdelay $0x1  }
0x17: {  	s18 =	sshra.s32 s17, $0x2;
	s17 =	sadd.s32 $0x40, s17;
	v3 =	vshrl.u32 v2, $0x1  }
0x18: {  	v2 =	vld [tilespmem:s18+$0x0];
	[tilespmem:s16+$0x1900] =	vst v3;
	s16 =	smov.u32 s18  }
0x19: {  	_ =	sdelay $0x3  }
0x1a: {  	s17 =	simm.s32 $0x0;
	v2 =	vshrl.u32 v2, $0x1  }
0x1b: {  	[tilespmem:s16+$0x1900] =	vst v2;
	v2 =	vor.u32 s17, v0  }
0x1c: {  	[tilespmem:s10], [sflag:$0x1] =	stream.indirect.gather [hbm4b:s5+s9], $0x8, s9, s9, $0xb8;
	[tilespmem:$0x15E00] =	vst v63  }
0x1d: {  	_ =	swait.ge [sflag:s11], $0xC800  }
0x1e: {  	[sflag:s11] =	ssyncset.done $0x0  }
0x1f: {  	[sflag:s11] =	ssyncadd.s32 $0xFFFF3800  }
0x20: {  	v3 =	vld.idx.msk [tilespmem:v2+s3+$0x0], $0xffff;
	_ =	sdelay $0x4  }
0x21: {  	v3 =	vshll.u32 v3, $0x2  }
0x22: {  	v2 =	vshll.u32 v2, $0x3;
	v3 =	vand.u32 $0x4, v3  }
0x23: {  	v2 =	vor.u32 v2, v3  }
0x24: {  	v2 =	vor.u32 v1, v2;
	_ =	sdelay $0x4  }
0x25: {  	s30 =	simm.s32 $0x4;
	v2 =	vld.idx.msk [tilespmem:v2+s10+$0x0], $0xffff  }
0x26: {  	v3 =	vor.u32 s30, v0;
	_ =	sdelay $0x2  }
0x27: {  	s16 =	simm.s32 $0xFA00  }
0x28: {  	[tilespmem:s16+$0x0] =	vst v2  }
0x29: {  	v2 =	vld.idx.msk [tilespmem:v3+s3+$0x0], $0xffff;
	_ =	sdelay $0x4  }
0x2a: {  	v2 =	vshll.u32 v2, $0x2  }
0x2b: {  	v3 =	vshll.u32 v3, $0x3;
	v2 =	vand.u32 $0x4, v2  }
0x2c: {  	v2 =	vor.u32 v3, v2  }
0x2d: {  	v2 =	vor.u32 v1, v2;
	_ =	sdelay $0x4  }
0x2e: {  	s31 =	simm.s32 $0x8;
	v3 =	vld.idx.msk [tilespmem:v2+s10+$0x0], $0xffff  }
0x2f: {  	s17 =	simm.s32 $0xC;
	v2 =	vor.u32 s31, v0  }
.LBB2_5:
0x30: {  	p0 =	sne.s32 s17, $0x18FC;
	_ =	sdelay $0x1  }
0x31: {  	s16 =	sadd.s32 $0x10, s16  }
0x32: {  	[tilespmem:s16+$0x0] =	vst v3  }
0x33: {  	v3 =	vld.idx.msk [tilespmem:v2+s3+$0x0], $0xffff;
	_ =	sdelay $0x5  }
0x34: {  	v3 =	vshll.u32 v3, $0x2  }
0x35: {  	v2 =	vshll.u32 v2, $0x3;
	v3 =	vand.u32 $0x4, v3  }
0x36: {  	v2 =	vor.u32 v2, v3  }
0x37: {  	v2 =	vor.u32 v1, v2;
	_ =	sdelay $0x2  }
.Ltmp1:
0x38: {  	(pc) =	sbr.rel @p0 .LBB2_5-.Ltmp1, $3  }
0x39: {  	_ = 	snop  }
0x3a: {  	v3 =	vld.idx.msk [tilespmem:v2+s10+$0x0], $0xffff;
	_ =	sdelay $0x1  }
0x3b: {  	v2 =	vor.u32 s17, v0;
	s17 =	sadd.s32 $0x4, s17  }
0x3c: {  	_ =	sdelay $0x1  }
0x3d: {  	s16 =	sadd.s32 $0x10, s16  }
0x3e: {  	[tilespmem:s16+$0x0] =	vst v3  }
0x3f: {  	v3 =	vld.idx.msk [tilespmem:v2+s3+$0x0], $0xffff;
	_ =	sdelay $0x4  }
0x40: {  	v3 =	vshll.u32 v3, $0x2  }
0x41: {  	v2 =	vshll.u32 v2, $0x3;
	v3 =	vand.u32 $0x4, v3  }
0x42: {  	v2 =	vor.u32 v2, v3  }
0x43: {  	v2 =	vor.u32 v1, v2;
	_ =	sdelay $0x4  }
0x44: {  	v2 =	vld.idx.msk [tilespmem:v2+s10+$0x0], $0xffff;
	_ =	sdelay $0x2  }
0x45: {  	s14 =	sadd.s32 $0x1, s14  }
0x46: {  	s15 =	sshrl.u32 s15, $0x1;
	p0 =	sne.s32 s14, $0x8;
	s16 =	sadd.s32 $0x10, s16  }
.Ltmp2:
0x47: {  	s15 =	sadd.s32 s1, s15;
	[tilespmem:s16+$0x0] =	vst v2;
	(pc) =	sbr.rel @p0 .LBB2_2-.Ltmp2, $4  }
0x48: {  	[hbm4b:s15+s3] =	stream.linear.scatter [tilespmem:s12], [sflag:$0x2], $0x6400, $0x38;
	[tilespmem:$0x15E00] =	vst v63  }
0x49: {  	_ =	swait.ge [sflag:s8], $0x6400  }
0x4a: {  	[sflag:s8] =	ssyncset.done $0x0  }
0x4b: {  	[sflag:s8] =	ssyncadd.s32 $0xFFFF9C00  }
0x4c: {  	s13 =	sadd.s32 $0x1, s13  }
0x4d: {  	p0 =	sne.s32 s13, s7  }
.Ltmp3:
0x4e: {  	_ = 	snop;
	(pc) =	sbr.rel @p0 .LBB2_1-.Ltmp3, $1  }
0x4f: {  	_ =	sdelay $0x3  }
0x50: {  	_ =	sfence.sel $0x180000  }
0x51: {  	[bflag:$0x0] =	sbarrier.arrive $0xFFFF  }
0x52: {  	p0 =	sne.s32 s2, $0x0;
	_ =	strace $0x9000004A  }
0x53: {  	s0 =	sadd.s32 @!p0 $0x100000, s0;
	[bflag:$0x2] =	sbarrier.arrive $0xFFFF  }
0x54: {  	[sflag:s0] =	ssyncadd.tile.s32 @!p0 $0x1;
	_ =	shalt  }
.Lfunc_end2:
_tile_overlayer_lowered:
.L_overlay_start_2:
0x55: {  	(tag) =	ssettag $0x2  }
0x56: {  	s0 =	rddreg [dreg:$0x0];
	s2 =	stileid.u32  }
0x57: {  	s1 =	rddreg [dreg:$0x1];
	p0 =	sne.s32 s2, $0x0  }
0x58: {  	s3 =	rddreg [dreg:$0x2];
	[bflag:$0x3] =	sbarrier.arrive $0xFFFF;
	s2 =	simm.s32 @!p0 $0x1C02  }
0x59: {  	[timem:s3], [sflag:s2] =	dma.local @!p0 [hbm:s0], s1  }
0x5a: {  	s0 =	simm.s32 @!p0 $0x2  }
0x5b: {  	_ =	swait.ge @!p0 [sflag:s0], s1  }
0x5c: {  	s1 =	ssub.s32 @!p0 $0x0, s1;
	[sflag:s0] =	ssyncset.done @!p0 $0x0  }
0x5d: {  	[sflag:s0] =	ssyncadd.s32 @!p0 s1  }
0x5e: {  	[bflag:$0x3] =	sbarrier.arrive $0xFFFF  }
0x5f: {  	_ =	shalt  }

// kernel: sparse-core-data-format-call.cloned.1.call-start
scs
called_computation_lowered:
.L_overlay_start_0:
0x0: {  	s1 =	sld [smem:$0x3FD9]  }
0x1: {  	s2 =	sld [smem:$0x3FFE];
	_ =	sdelay $0x1  }
0x2: {  	s3 =	srdreg.scid  }
0x3: {  	s0 =	sand.u32 $0x1, s3  }
0x4: {  	s17 =	sshll.u32 s0, $0xA;
	s1 =	sadd.s32 s2, s1  }
0x5: {  	s1 =	sadd.s32 s1, s17  }
0x6: {  	[smem:$0x3FC6] =	sst s1  }
0x7: {  	_ = 	snop  }
0x8: {  	(tm) =	ssettm $0x1  }
0x9: {  	s18 =	sld [smem:$0x3FFB];
	_ =	sdelay $0x3  }
0xa: {  	_ =	strace s18  }
0xb: {  	s1 =	sld [smem:$0x3FFC];
	_ =	sdelay $0x3  }
0xc: {  	_ =	strace s1  }
0xd: {  	s1 =	sld [smem:$0x3FFD];
	_ =	sdelay $0x3  }
0xe: {  	_ =	strace s1  }
0xf: {  	_ =	strace $0x8FFFFFFF  }
0x10: {  	s19 =	sld [smem:$0x3FDB];
	_ =	sdelay $0x1  }
0x11: {  	s20 =	simm.s32 $_scs_section_size  }
0x12: {  	s4 =	simm.s32 $_size__tile_overlayer_lowered;
	s5 =	simm.s32 $_tile_overlayer_lowered  }
0x13: {  	s23 =	simm.s32 $0x1BFF;
	s22 =	sshll.u32 s5, $0x1;
	s1 =	sadd.s32 s20, s19  }
0x14: {  	s6 =	simm.s32 $0x0;
	s21 =	sshll.u32 s4, $0x1;
	s4 =	sadd.s32 s22, s1  }
0x15: {  	[timem:s6], [sflag:s23] =	dma.local [hbm:s4], s21  }
0x16: {  	_ =	swait.ge [sflag:s23], s21  }
0x17: {  	s2 =	ssub.s32 $0x0, s21;
	[sflag:s23] =	ssyncset.done $0x0  }
0x18: {  	[sflag:s23] =	ssyncadd.s32 s2;
	_ =	sdelay $0x1  }
0x19: {  	s24 =	simm.s32 $0x1B8B  }
0x1a: {  	_ =	swait.ge [sflag:s24], $0x1  }
0x1b: {  	[sflag:s24] =	ssyncset.done $0x0  }
0x1c: {  	s26 =	simm.s32 $0x1B8E;
	s25 =	sld [smem:$0x3FFE];
	[sflag:s24] =	ssyncadd.s32 $0xFFFFFFFF  }
0x1d: {  	s27 =	simm.s32 $execute0_lowered;
	[smem:$0x3FD2] =	sst s26  }
0x1e: {  	s4 =	sshll.u32 s27, $0x1;
	_ =	strace $0x80000046;
	[dreg:$0x1] =	wrdreg $0xFFFFFFFF  }
0x1f: {  	s28 =	simm.s32 $_size_execute0_lowered;
	s1 =	sadd.s32 s1, s4;
	[dreg:$0x0] =	wrdreg $0x0  }
0x20: {  	s4 =	sshll.u32 s28, $0x1;
	[dreg:$0x2] =	wrdreg s1  }
0x21: {  	[dreg:$0x3] =	wrdreg s4  }
0x22: {  	[dreg:$0x4] =	wrdreg $0xC0  }
0x23: {  	_ =	task [dreg:s6], $0x5FFFF  }
0x24: {  	[dreg:$0x1] =	wrdreg $0xFFFFFFFF  }
0x25: {  	[dreg:$0x0] =	wrdreg $0x60  }
0x26: {  	[dreg:$0x2] =	wrdreg s25  }
0x27: {  	[dreg:$0x3] =	wrdreg $0x9  }
0x28: {  	_ =	task.clear_ibuf [dreg:s6], $0x4FFFF;
	_ =	strace $0x90000046  }
0x29: {  	s29 =	simm.s32 $0x9;
	_ =	strace $0x80000048  }
0x2a: {  	_ =	swait.ge [sflag:s29], $0x1  }
0x2b: {  	[sflag:s29] =	ssyncadd.s32 $0xFFFFFFFF  }
0x2c: {  	_ =	strace $0x90000048  }
0x2d: {  	_ =	sfence  }
0x2e: {  	s30 =	sld [smem:$0x0];
	_ =	sdelay $0x2  }
0x2f: {  	s31 =	sshll.u32 s3, $0xD;
	s3 =	sshrl.u32 s3, $0x2  }
0x30: {  	s2 =	sand.u32 $0x4000, s31;
	s1 =	sadd.s32 s3, s30  }
0x31: {  	s0 =	sor.u32 s2, s0;
	s1 =	sshll.u32 s1, $0x11  }
0x32: {  	s0 =	sor.u32 s1, s0  }
0x33: {  	s0 =	sadd.s32 $0x8F2B, s0  }
0x34: {  	[sflag:s0] =	ssyncadd.remote.s32 $0x1  }
0x35: {  	_ =	sfence.sel $0xFFFF  }
0x36: {  	[dreg:$0x0] =	wrdreg $0xFFFFFFFF;
	(pc) =	sbr.abs _section_cstart, $3  }
0x37: {  	[dreg:$0x1] =	wrdreg $0xFFFFFFFF  }
0x38: {  	_ =	task.clear_ibuf [dreg:s6], $0x2FFFF;
	_ =	strace $0x9FFFFFFF  }
0x39: {  	(tm) =	ssettm $0x7FFFFFFF  }
tec
execute0_lowered:
.L_overlay_start_1:
0x0: {  	(tag) =	ssettag $0x1  }
0x1: {  	s0 =	srdreg.scid  }
0x2: {  	s1 =	stileid.u32;
	s29 =	rddreg [dreg:$0x0];
	s0 =	sshll.u32 s0, $0x4  }
0x3: {  	_ =	strace $0x80000047;
	s3 =	simm.s32 $0x1;
	s0 =	sand.u32 $0x10, s0  }
0x4: {  	s30 =	simm.s32 $0x2;
	s12 =	simm.s32 $0x0;
	s0 =	sor.u32 s1, s0  }
0x5: {  	s11 =	simm.s32 $0x0;
	s9 =	simm.s32 $0x0;
	s4 =	sshll.u32 s0, $0xC  }
0x6: {  	s10 =	simm.s32 $0x0;
	s31 =	sadd.s32 $0x800A00, s29;
	s0 =	ssub.s32 $0x1000000, s4  }
0x7: {  	s5 =	sadd.s32 $0xA00, s29;
	[smem:$0x7F9] =	sst s31;
	s2 =	sand.u32 $0x1F000, s0  }
.Ltmp0:
0x8: {  	p0 =	sne.s32 s2, $0x0;
	s2 =	simm.s32 $0x1;
	(pc) =	sbr.rel .LBB1_1-.Ltmp0, $4  }
0x9: {  	[smem:$0x7FB] =	sst s5;
	s0 =	sshrl.u32 s0, $0x11;
	s2 =	simm.s32 @!p0 $0x0  }
0xa: {  	[sflag:s3] =	ssyncpa.u1 $0x0;
	[smem:$0x7FA] =	sst s4;
	s6 =	sadd.s32 s2, s0  }
0xb: {  	[sflag:s30] =	ssyncpa.u1 $0x0;
	s7 =	sadd.s32 $0x1, s6;
	[smem:$0x7FC] =	sst s6  }
0xc: {  	s8 =	smov.u32 s4;
	p0 =	por $0x0, $0x0;
	[smem:$0x7FD] =	sst s7  }
.LBB1_7:
0xd: {  	s0 =	sadd.s32 $0x20000, s8  }
0xe: {  	s2 =	sadd.s32 $0x4, s9;
	s3 =	smov.u32 s9;
	p2 =	sgt.s32 s0, $0xFFFFFF  }
0xf: {  	s3 =	smov.u32 @p2 s2  }
0x10: {  	s0 =	smov.u32 @p2 s4;
	p2 =	sgt.s32 s3, $0x3  }
0x11: {  	s3 =	simm.s32 @p2 $0x0;
	p2 =	sne.s32 s10, s7  }
.Ltmp1:
0x12: {  	p1 =	slt.u32 s10, $0x2;
	(pc) =	sbr.rel @!p2 .LBB1_8-.Ltmp1, $4  }
0x13: {  	s1 =	simm.s32 @!p1 $0x2  }
0x14: {  	s12 =	smov.u32 s8;
	s11 =	smov.u32 s9;
	_ =	swait.ge @!p1 [sflag:s1], $0x4000  }
0x15: {  	p0 =	por !p0, !p0;
	[sflag:s1] =	ssyncset.done @!p1 $0x0;
	s8 =	smov.u32 s0  }
0x16: {  	s10 =	sadd.s32 $0x1, s10;
	[sflag:s1] =	ssyncadd.s32 @!p1 $0xFFFFC000;
	s9 =	smov.u32 s3  }
.LBB1_1:
0x17: {  	p1 =	sge.u32 s10, s6  }
0x18: {  	s0 =	sshll.u32 @!p1 s9, $0x7  }
0x19: {  	s1 =	sand.u32 @!p1 $0x78, s8;
	s2 =	sshll.u32 @!p1 s8, $0x2;
	s0 =	sand.u32 @!p1 $0x180, s0  }
0x1a: {  	s2 =	sand.u32 @!p1 $0x3FFFE00, s2;
	s0 =	sor.u32 @!p1 s0, s1  }
0x1b: {  	s1 =	sxor.u32 @!p1 $0xFFFFFFFF, s10;
	s0 =	sor.u32 @!p1 s2, s0  }
0x1c: {  	s31 =	sadd.s32 $0xFFFFFFFF, s10;
	s1 =	sshll.u32 @!p1 s1, $0xE;
	s0 =	sshrl.u32 @!p1 s0, $0x3  }
0x1d: {  	s2 =	sand.u32 @!p1 $0x7, s8;
	s1 =	sand.u32 @!p1 $0x4000, s1;
	s0 =	sadd.s32 @!p1 s5, s0  }
0x1e: {  	[tilespmem:s1], [sflag:$0x1] =	stream.linear.gather @!p1 [hbm4b:s0+s2], $0x4000, $0x38;
	[tilespmem:$0x10000] =	vst v63  }
0x1f: {  	p1 =	sge.u32 s31, s6  }
.Ltmp2:
0x20: {  	_ = 	snop;
	(pc) =	sbr.rel @p1 .LBB1_7-.Ltmp2, $1  }
0x21: {  	_ =	sdelay $0x3  }
0x22: {  	[smem:$0x7F3] =	sst s12  }
0x23: {  	[smem:$0x7F4] =	sst s11  }
0x24: {  	[smem:$0x7F5] =	sst s9  }
0x25: {  	[smem:$0x7F6] =	sst s8;
	s0 =	simm.s32 $0x1;
	s2 =	simm.s32 $0x1  }
0x26: {  	s1 =	sshll.u32 s10, $0xE;
	s19 =	simm.s32 $0x0;
	s17 =	simm.s32 $0x8000  }
0x27: {  	s0 =	simm.s32 @!p0 $0x0;
	_ =	swait.ge [sflag:s2], $0x4000;
	s15 =	sand.u32 $0x4000, s1  }
0x28: {  	[smem:$0x7F7] =	sst s10;
	s0 =	sshll.u32 s0, $0x10;
	s1 =	sor.u32 $0x8000, s15  }
0x29: {  	[sflag:s2] =	ssyncset.done $0x0;
	[smem:$0x7F8] =	sst s1;
	s8 =	sshrl.u32 s0, $0x2  }
0x2a: {  	[sflag:s2] =	ssyncadd.s32 $0xFFFFC000;
	s0 =	simm.s32 $0x0;
	v0 =	vmov s8;
	[dreg:$0x2] =	wrdreg s8  }
.LBB1_3:
0x2b: {  	[smem:$0x7F0] =	sst s0;
	s2 =	sshll.u32 s0, $0x7;
	s3 =	simm.s32 $0x0  }
0x2c: {  	s6 =	simm.s32 $0x780;
	s1 =	simm.s32 $0x0;
	s4 =	simm.s32 $0x240  }
0x2d: {  	s5 =	simm.s32 $0x280;
	s13 =	simm.s32 $0x300;
	s31 =	simm.s32 $0x340  }
0x2e: {  	s22 =	simm.s32 $0x380;
	s23 =	simm.s32 $0x3C0;
	s24 =	simm.s32 $0x440  }
0x2f: {  	s29 =	simm.s32 $0x480;
	s26 =	simm.s32 $0x4C0;
	s27 =	simm.s32 $0x500  }
0x30: {  	s30 =	simm.s32 $0x540;
	s20 =	simm.s32 $0x580;
	s18 =	simm.s32 $0x640  }
0x31: {  	s16 =	simm.s32 $0x680;
	s21 =	sadd.s32 s8, s17;
	[dreg:$0x3] =	wrdreg s1  }
0x32: {  	s7 =	sand.u32 $0x3000, s6;
	s0 =	sand.u32 $0xE00, s6;
	s9 =	sand.u32 $0x3000, s3  }
0x33: {  	s3 =	sand.u32 $0x800, s3;
	s10 =	sand.u32 $0x3000, s4;
	s8 =	sand.u32 $0x3000, s5  }
0x34: {  	s4 =	sand.u32 $0xA00, s4;
	s5 =	sand.u32 $0xA00, s5;
	s6 =	sand.u32 $0x3000, s31  }
0x35: {  	s1 =	sadd.s32 s7, s15;
	s7 =	simm.s32 $0x2C0;
	s9 =	sadd.s32 s9, s15  }
0x36: {  	s10 =	sadd.s32 s10, s15;
	s6 =	sadd.s32 s6, s15;
	s11 =	sadd.s32 s0, s1  }
0x37: {  	s14 =	sadd.s32 s3, s9;
	s25 =	sadd.s32 s4, s10;
	s12 =	sand.u32 $0x3000, s7  }
0x38: {  	s3 =	sadd.s32 s8, s15;
	s7 =	sand.u32 $0xA00, s7;
	s8 =	sand.u32 $0x3000, s22  }
0x39: {  	s10 =	sand.u32 $0xA00, s31;
	s4 =	sadd.s32 s12, s15;
	s9 =	sadd.s32 s5, s3  }
0x3a: {  	s5 =	sand.u32 $0x3000, s13;
	s12 =	sand.u32 $0xA00, s22;
	s22 =	sand.u32 $0x3000, s24  }
0x3b: {  	s4 =	sadd.s32 s7, s4;
	s3 =	sadd.s32 s5, s15;
	s7 =	sand.u32 $0xA00, s13  }
0x3c: {  	s5 =	sadd.s32 s10, s6;
	s13 =	sand.u32 $0x3000, s23;
	s7 =	sadd.s32 s7, s3  }
0x3d: {  	s3 =	sadd.s32 s8, s15;
	s6 =	sadd.s32 s13, s15;
	s8 =	sand.u32 $0xA00, s23  }
0x3e: {  	s13 =	sand.u32 $0x3000, s29;
	s23 =	sand.u32 $0xC00, s29;
	s12 =	sadd.s32 s12, s3  }
0x3f: {  	v1 =	vmov s2;
	s31 =	sadd.s32 s8, s6;
	s3 =	sadd.s32 s22, s15;
	s2 =	sadd.s32 s13, s15  }
0x40: {  	s22 =	sand.u32 $0xC00, s24;
	s24 =	sand.u32 $0x3000, s26;
	s13 =	sand.u32 $0xC00, s26  }
0x41: {  	s26 =	sand.u32 $0xC00, s27;
	s6 =	sadd.s32 s22, s3;
	s22 =	sand.u32 $0x3000, s27  }
0x42: {  	s10 =	sadd.s32 s23, s2;
	s3 =	sand.u32 $0x3000, s20;
	s22 =	sadd.s32 s22, s15  }
0x43: {  	v3 =	vld.idx.msk [tilespmem:v0+s19+$0x0 ss:$0x1], $0xffff;
	s20 =	sand.u32 $0xC00, s20;
	s29 =	sadd.s32 s26, s22;
	s22 =	sadd.s32 s3, s15  }
0x44: {  	v2 =	vld.idx.msk [tilespmem:v1+s11+$0x60 ss:$0x1], $0xffff;
	s8 =	sadd.s32 s24, s15;
	s24 =	sand.u32 $0x3000, s30;
	s20 =	sadd.s32 s20, s22  }
0x45: {  	v4 =	vld.idx.msk [tilespmem:v0+s19+$0x200 ss:$0x1], $0xffff;
	s27 =	sand.u32 $0xC00, s30;
	s22 =	sand.u32 $0x3000, s18;
	[dreg:$0x8] =	wrdreg s20  }
0x46: {  	s23 =	sadd.s32 s24, s15;
	s18 =	sand.u32 $0xE00, s18;
	s20 =	sadd.s32 s22, s15;
	v5 =	vld.idx.msk [tilespmem:v0+s19+$0x400 ss:$0x1], $0xffff  }
0x47: {  	s30 =	sadd.s32 s27, s23;
	s26 =	sand.u32 $0x3000, s16;
	v6 =	vld.idx.msk [tilespmem:v0+s19+$0x600 ss:$0x1], $0xffff;
	s27 =	sadd.s32 s18, s20  }
0x48: {  	s11 =	sand.u32 $0xE00, s16;
	s2 =	sadd.s32 s26, s15;
	v7 =	vld.idx.msk [tilespmem:v1+s14+$0x10 ss:$0x1], $0xffff;
	[dreg:$0x5] =	wrdreg s27  }
0x49: {  	s28 =	simm.s32 $0x5C0;
	s1 =	simm.s32 $0x6C0;
	s16 =	sadd.s32 s11, s2;
	[tilespmem:s21+$0x780 ss:$0x4] =	vst.msk $0xffff, v2  }
0x4a: {  	s0 =	simm.s32 $0x700;
	s8 =	sadd.s32 s13, s8;
	v8 =	vld.idx.msk [tilespmem:v1+s14+$0x20 ss:$0x1], $0xffff;
	[dreg:$0x6] =	wrdreg s16  }
0x4b: {  	s13 =	sand.u32 $0x3000, s28;
	s24 =	sand.u32 $0xC00, s28;
	s20 =	sand.u32 $0x3000, s0;
	[tilespmem:s21+$0x0 ss:$0x4] =	vst.msk $0xffff, v3  }
0x4c: {  	s23 =	sadd.s32 s13, s15;
	s0 =	sand.u32 $0xE00, s0;
	s13 =	sadd.s32 s20, s15;
	v2 =	vld.idx.msk [tilespmem:v1+s14+$0x30 ss:$0x1], $0xffff;
	[tilespmem:s21+$0x200 ss:$0x4] =	vst.msk $0xffff, v4  }
0x4d: {  	s28 =	sand.u32 $0x3000, s1;
	s1 =	sand.u32 $0xE00, s1;
	s0 =	sadd.s32 s0, s13;
	v3 =	vld.idx.msk [tilespmem:v1+s14+$0x40 ss:$0x1], $0xffff;
	[tilespmem:s21+$0x400 ss:$0x4] =	vst.msk $0xffff, v5  }
0x4e: {  	s3 =	sadd.s32 s24, s23;
	s23 =	simm.s32 $0x740;
	v4 =	vld.idx.msk [tilespmem:v1+s14+$0x50 ss:$0x1], $0xffff;
	[dreg:$0x7] =	wrdreg s0  }
0x4f: {  	s26 =	simm.s32 $0x7C0;
	s22 =	sadd.s32 s28, s15;
	s24 =	sand.u32 $0x3000, s23;
	[tilespmem:s21+$0x600 ss:$0x4] =	vst.msk $0xffff, v6  }
0x50: {  	s2 =	sand.u32 $0xE00, s23;
	s28 =	sand.u32 $0xE00, s26;
	s18 =	sadd.s32 s1, s22;
	v6 =	vld.idx.msk [tilespmem:v1+s14+$0x60 ss:$0x1], $0xffff;
	[tilespmem:s21+$0x40 ss:$0x4] =	vst.msk $0xffff, v7  }
0x51: {  	s1 =	sadd.s32 s24, s15;
	s22 =	simm.s32 $0xFC0;
	s27 =	sand.u32 $0x3000, s26;
	v5 =	vld.idx.msk [tilespmem:v1+s14+$0x70 ss:$0x1], $0xffff;
	[tilespmem:s21+$0x80 ss:$0x4] =	vst.msk $0xffff, v8  }
0x52: {  	s1 =	sadd.s32 s2, s1;
	s0 =	sadd.s32 s27, s15;
	v7 =	vld.idx.msk [tilespmem:v1+s25+$0x10 ss:$0x1], $0xffff;
	[smem:$0x7F1] =	sst s19  }
0x53: {  	s26 =	sadd.s32 $0x800, s19;
	s0 =	sadd.s32 s28, s0;
	[smem:$0x7F2] =	sst s17  }
.LBB1_4:
0x54: {  	[smem:$0x7DF] =	sst s3  }
0x55: {  	[dreg:$0xa] =	wrdreg s1  }
0x56: {  	[dreg:$0x9] =	wrdreg s0  }
0x57: {  	s19 =	sadd.s32 $0xFFFFF840, s22;
	s11 =	rddreg [dreg:$0x3]  }
0x58: {  	s27 =	sadd.s32 $0xFFFFFC00, s22;
	[dreg:$0xb] =	wrdreg s19  }
0x59: {  	s14 =	smov.u32 s10;
	s10 =	sadd.s32 $0xFFFFFC80, s22;
	[dreg:$0x17] =	wrdreg s27  }
0x5a: {  	s25 =	smov.u32 s31;
	s31 =	sadd.s32 $0xFFFFFCC0, s22;
	[dreg:$0xe] =	wrdreg s10  }
0x5b: {  	s2 =	sadd.s32 $0xFFFFFD00, s22;
	[dreg:$0x11] =	wrdreg s31  }
0x5c: {  	s23 =	sadd.s32 $0xFFFFFD80, s22;
	[dreg:$0x19] =	wrdreg s2  }
0x5d: {  	s28 =	sadd.s32 $0xFFFFFDC0, s22;
	[dreg:$0x13] =	wrdreg s23  }
0x5e: {  	s16 =	sadd.s32 $0xFFFFFE80, s22;
	[smem:$0x7E0] =	sst s28  }
0x5f: {  	s3 =	sadd.s32 $0xFFFFFFC0, s22;
	s17 =	sadd.s32 $0x800, s17;
	[dreg:$0x16] =	wrdreg s16  }
0x60: {  	s1 =	sadd.s32 $0x200, s11;
	s11 =	sadd.s32 $0xFFFFFA80, s22;
	[dreg:$0x4] =	wrdreg s17  }
0x61: {  	s13 =	sand.u32 $0x3000, s3;
	s0 =	sand.u32 $0xE00, s3;
	[dreg:$0x18] =	wrdreg s11  }
0x62: {  	s3 =	smov.u32 s30;
	s30 =	sadd.s32 $0xFFFFFBC0, s22;
	[dreg:$0x3] =	wrdreg s1  }
0x63: {  	p1 =	slt.u32 s1, $0xE00;
	s1 =	sadd.s32 $0xFFFFFAC0, s22;
	[dreg:$0x10] =	wrdreg s30;
	[tilespmem:s21+$0xC0 ss:$0x4] =	vst.msk $0xffff, v2;
	v2 =	vld.idx.msk [tilespmem:v1+s9+$0x20 ss:$0x1], $0xffff  }
0x64: {  	[dreg:$0xc] =	wrdreg s1;
	[tilespmem:s21+$0x100 ss:$0x4] =	vst.msk $0xffff, v3;
	v3 =	vld.idx.msk [tilespmem:v1+s4+$0x30 ss:$0x1], $0xffff  }
0x65: {  	s4 =	sadd.s32 $0xFFFFFB00, s22;
	[tilespmem:s21+$0x1C0 ss:$0x4] =	vst.msk $0xffff, v5;
	v5 =	vld.idx.msk [tilespmem:v1+s12+$0x60 ss:$0x1], $0xffff;
	s12 =	rddreg [dreg:$0x8]  }
0x66: {  	[tilespmem:s21+$0x140 ss:$0x4] =	vst.msk $0xffff, v4;
	v4 =	vld.idx.msk [tilespmem:v1+s7+$0x40 ss:$0x1], $0xffff;
	s7 =	sadd.s32 $0xFFFFFB40, s22;
	[dreg:$0xd] =	wrdreg s4  }
0x67: {  	s9 =	sadd.s32 s13, s15;
	[tilespmem:s21+$0x180 ss:$0x4] =	vst.msk $0xffff, v6;
	v6 =	vld.idx.msk [tilespmem:v1+s5+$0x50 ss:$0x1], $0xffff;
	s5 =	sadd.s32 $0xFFFFFB80, s22;
	[dreg:$0x14] =	wrdreg s7  }
0x68: {  	s13 =	sadd.s32 $0xFFFFFD40, s22;
	s0 =	sadd.s32 s0, s9;
	[dreg:$0xf] =	wrdreg s5  }
0x69: {  	[dreg:$0x12] =	wrdreg s13;
	v8 =	vld.idx.msk [tilespmem:v1+s0+$0x60 ss:$0x1], $0xffff;
	s0 =	sand.u32 $0x3000, s19  }
0x6a: {  	[tilespmem:s21+$0x240 ss:$0x4] =	vst.msk $0xffff, v7;
	v7 =	vld.idx.msk [tilespmem:v1+s29+$0x40 ss:$0x1], $0xffff;
	s9 =	rddreg [dreg:$0x4];
	s0 =	sadd.s32 s0, s15  }
0x6b: {  	s29 =	sand.u32 $0x3000, s30;
	[dreg:$0x1a] =	wrdreg s0;
	[tilespmem:s21+$0x280 ss:$0x4] =	vst.msk $0xffff, v2;
	v2 =	vld.idx.msk [tilespmem:v1+s25+$0x70 ss:$0x1], $0xffff  }
0x6c: {  	s30 =	sand.u32 $0x3000, s31;
	s17 =	sand.u32 $0x3000, s4;
	[tilespmem:s21+$0x2C0 ss:$0x4] =	vst.msk $0xffff, v3;
	v3 =	vld.idx.msk [tilespmem:v1+s6+$0x10 ss:$0x1], $0xffff;
	s6 =	rddreg [dreg:$0x2]  }
0x6d: {  	s25 =	sadd.s32 $0xFFFFFE00, s22;
	[tilespmem:s21+$0x380 ss:$0x4] =	vst.msk $0xffff, v5;
	v5 =	vld.idx.msk [tilespmem:v1+s3+$0x50 ss:$0x1], $0xffff;
	s3 =	sand.u32 $0x3000, s23;
	s23 =	sld [smem:$0x7DF]  }
0x6e: {  	[tilespmem:s21+$0x300 ss:$0x4] =	vst.msk $0xffff, v4;
	v4 =	vld.idx.msk [tilespmem:v1+s14+$0x20 ss:$0x1], $0xffff;
	[dreg:$0x15] =	wrdreg s25;
	s14 =	sadd.s32 s6, s9;
	s9 =	sand.u32 $0x3000, s11  }
0x6f: {  	s11 =	sand.u32 $0x3000, s1;
	s1 =	sand.u32 $0x3000, s27;
	s27 =	sld [smem:$0x7E0]  }
0x70: {  	[tilespmem:s21+$0x500 ss:$0x4] =	vst.msk $0xffff, v7;
	v7 =	vld.idx.msk [tilespmem:v1+s18+$0x30 ss:$0x1], $0xffff;
	s18 =	sadd.s32 s17, s15;
	s31 =	sand.u32 $0x3000, s25;
	s25 =	rddreg [dreg:$0x5]  }
0x71: {  	s17 =	sadd.s32 s30, s15;
	[dreg:$0x1e] =	wrdreg s18  }
0x72: {  	s19 =	sadd.s32 $0xFFFFFF80, s22;
	[smem:$0x7E5] =	sst s17  }
0x73: {  	s0 =	sand.u32 $0x3000, s19;
	s18 =	rddreg [dreg:$0x9]  }
0x74: {  	[tilespmem:s21+$0x340 ss:$0x4] =	vst.msk $0xffff, v6;
	v6 =	vld.idx.msk [tilespmem:v1+s8+$0x30 ss:$0x1], $0xffff;
	s8 =	sand.u32 $0x3000, s7;
	s0 =	sadd.s32 s0, s15;
	s17 =	rddreg [dreg:$0xb]  }
0x75: {  	s8 =	sadd.s32 s8, s15;
	[smem:$0x7EF] =	sst s0  }
0x76: {  	s6 =	sand.u32 $0x3000, s5;
	s9 =	sadd.s32 s9, s15;
	[dreg:$0x1f] =	wrdreg s8  }
0x77: {  	s6 =	sadd.s32 s6, s15;
	[dreg:$0x1c] =	wrdreg s9  }
0x78: {  	s1 =	sadd.s32 s1, s15;
	[smem:$0x7E1] =	sst s6  }
0x79: {  	[smem:$0x7E3] =	sst s1  }
0x7a: {  	s9 =	sadd.s32 s29, s15;
	s1 =	rddreg [dreg:$0x14]  }
0x7b: {  	s28 =	sadd.s32 $0xFFFFFEC0, s22;
	s6 =	sadd.s32 s3, s15;
	[smem:$0x7E2] =	sst s9  }
0x7c: {  	s5 =	sand.u32 $0x3000, s28;
	[smem:$0x7E8] =	sst s6  }
0x7d: {  	s9 =	sadd.s32 s31, s15;
	s6 =	rddreg [dreg:$0xf];
	[tilespmem:s21+$0x3C0 ss:$0x4] =	vst.msk $0xffff, v2;
	v2 =	vld.idx.msk [tilespmem:v1+s12+$0x60 ss:$0x1], $0xffff;
	s12 =	sand.u32 $0x3000, s2  }
0x7e: {  	s2 =	sand.u32 $0x3000, s13;
	[tilespmem:s21+$0x480 ss:$0x4] =	vst.msk $0xffff, v4;
	v4 =	vld.idx.msk [tilespmem:v1+s25+$0x10 ss:$0x1], $0xffff;
	s25 =	smov.u32 s28;
	s28 =	rddreg [dreg:$0x6]  }
0x7f: {  	s13 =	sand.u32 $0x3000, s16;
	s16 =	sadd.s32 s11, s15;
	s11 =	rddreg [dreg:$0xa]  }
0x80: {  	[smem:$0x7EA] =	sst s9  }
0x81: {  	s4 =	sand.u32 $0x3000, s10;
	[tilespmem:s21+$0x440 ss:$0x4] =	vst.msk $0xffff, v3;
	v3 =	vld.idx.msk [tilespmem:v1+s23+$0x70 ss:$0x1], $0xffff;
	s9 =	rddreg [dreg:$0x17]  }
0x82: {  	s23 =	sand.u32 $0x3000, s27;
	[tilespmem:s21+$0x4C0 ss:$0x4] =	vst.msk $0xffff, v6;
	v6 =	vld.idx.msk [tilespmem:v1+s28+$0x20 ss:$0x1], $0xffff;
	s28 =	sand.u32 $0x3000, s22;
	[dreg:$0x1d] =	wrdreg s16  }
0x83: {  	s16 =	sadd.s32 s4, s15;
	s8 =	sadd.s32 s23, s15;
	s23 =	rddreg [dreg:$0xc]  }
0x84: {  	s4 =	sadd.s32 s2, s15;
	s2 =	sand.u32 $0x800, s17;
	s17 =	rddreg [dreg:$0x15]  }
0x85: {  	[dreg:$0x1b] =	wrdreg s28  }
0x86: {  	s28 =	rddreg [dreg:$0x7]  }
0x87: {  	[smem:$0x7E4] =	sst s16  }
0x88: {  	[smem:$0x7E7] =	sst s4  }
0x89: {  	s24 =	sadd.s32 $0xFFFFFF40, s22;
	[smem:$0x7E9] =	sst s8  }
0x8a: {  	s10 =	sand.u32 $0x3000, s24;
	s8 =	rddreg [dreg:$0x10]  }
0x8b: {  	s16 =	sadd.s32 s10, s15;
	s10 =	rddreg [dreg:$0xe]  }
0x8c: {  	s0 =	sand.u32 $0xA00, s9;
	s9 =	rddreg [dreg:$0x1d]  }
0x8d: {  	[smem:$0x7EE] =	sst s16  }
0x8e: {  	[tilespmem:s21+$0x540 ss:$0x4] =	vst.msk $0xffff, v5;
	v5 =	vld.idx.msk [tilespmem:v1+s28+$0x40 ss:$0x1], $0xffff;
	s28 =	sadd.s32 s12, s15;
	s16 =	rddreg [dreg:$0x13]  }
0x8f: {  	s12 =	sadd.s32 s5, s15;
	[smem:$0x7E6] =	sst s28  }
0x90: {  	[smem:$0x7EC] =	sst s12  }
0x91: {  	s20 =	sadd.s32 $0xFFFFFF00, s22;
	s28 =	rddreg [dreg:$0xd]  }
0x92: {  	s7 =	sand.u32 $0x3000, s20;
	s12 =	rddreg [dreg:$0x19]  }
0x93: {  	s30 =	sand.u32 $0xC00, s16;
	s16 =	sand.u32 $0xE00, s24;
	s24 =	rddreg [dreg:$0x1b];
	[tilespmem:s21+$0x580 ss:$0x4] =	vst.msk $0xffff, v2;
	v2 =	vld.idx.msk [tilespmem:v1+s11+$0x50 ss:$0x1], $0xffff  }
0x94: {  	s31 =	sand.u32 $0xA00, s8;
	[tilespmem:s21+$0x5C0 ss:$0x4] =	vst.msk $0xffff, v3;
	v3 =	vld.idx.msk [tilespmem:v1+s18+$0x70 ss:$0x1], $0xffff;
	s11 =	sadd.s32 s13, s15;
	s18 =	rddreg [dreg:$0x18]  }
0x95: {  	s13 =	sadd.s32 s7, s15;
	s8 =	sand.u32 $0xC00, s12;
	s12 =	rddreg [dreg:$0x1e]  }
0x96: {  	s7 =	sand.u32 $0xA00, s1;
	s1 =	sand.u32 $0xE00, s19;
	s19 =	rddreg [dreg:$0x1f]  }
0x97: {  	[smem:$0x7EB] =	sst s11  }
0x98: {  	[smem:$0x7ED] =	sst s13  }
0x99: {  	s11 =	rddreg [dreg:$0x11]  }
0x9a: {  	s6 =	sand.u32 $0xA00, s6;
	s13 =	rddreg [dreg:$0x12]  }
0x9b: {  	[tilespmem:s21+$0x6C0 ss:$0x4] =	vst.msk $0xffff, v7;
	s4 =	sand.u32 $0xA00, s23;
	s3 =	sand.u32 $0xA00, s18;
	s18 =	rddreg [dreg:$0x16]  }
0x9c: {  	s9 =	sadd.s32 s4, s9;
	[tilespmem:s21+$0x640 ss:$0x4] =	vst.msk $0xffff, v4;
	s7 =	sadd.s32 s7, s19;
	s19 =	sld [smem:$0x7E4]  }
0x9d: {  	[tilespmem:s21+$0x680 ss:$0x4] =	vst.msk $0xffff, v6;
	s23 =	sand.u32 $0xE00, s18;
	s18 =	sand.u32 $0xE00, s20;
	s20 =	rddreg [dreg:$0x1a]  }
0x9e: {  	s29 =	sand.u32 $0xC00, s13;
	s13 =	sand.u32 $0xE00, s25;
	s25 =	rddreg [dreg:$0x1c];
	[tilespmem:s21+$0x700 ss:$0x4] =	vst.msk $0xffff, v5  }
0x9f: {  	s5 =	sand.u32 $0xA00, s28;
	s2 =	sadd.s32 s2, s20;
	s20 =	sld [smem:$0x7E1];
	[tilespmem:s21+$0x740 ss:$0x4] =	vst.msk $0xffff, v2  }
0xa0: {  	s25 =	sadd.s32 s3, s25;
	s3 =	sld [smem:$0x7E8];
	[tilespmem:s21+$0x7C0 ss:$0x4] =	vst.msk $0xffff, v3;
	s21 =	sand.u32 $0xC00, s10  }
0xa1: {  	s10 =	sand.u32 $0xC00, s11;
	s11 =	sadd.s32 s24, s15;
	s24 =	sld [smem:$0x7E2]  }
0xa2: {  	s4 =	sadd.s32 s5, s12;
	s5 =	sadd.s32 s6, s20;
	s6 =	sld [smem:$0x7E3]  }
0xa3: {  	s20 =	sld [smem:$0x7E5]  }
0xa4: {  	s12 =	sadd.s32 s31, s24;
	s24 =	sld [smem:$0x7E7]  }
0xa5: {  	s31 =	sadd.s32 s0, s6;
	s6 =	sadd.s32 s21, s19;
	s21 =	sld [smem:$0x7E6]  }
0xa6: {  	v7 =	vld.idx.msk [tilespmem:v0+s26+$0x600 ss:$0x1], $0xffff;
	s19 =	sld [smem:$0x7E9]  }
0xa7: {  	[tilespmem:s14+$0x780 ss:$0x4] =	vst.msk $0xffff, v8;
	v8 =	vld.idx.msk [tilespmem:v0+s26+$0x0 ss:$0x1], $0xffff;
	s10 =	sadd.s32 s10, s20;
	s20 =	sld [smem:$0x7EA]  }
0xa8: {  	v4 =	vld.idx.msk [tilespmem:v0+s26+$0x200 ss:$0x1], $0xffff;
	s28 =	sand.u32 $0xC00, s27;
	s8 =	sadd.s32 s8, s21;
	s21 =	sld [smem:$0x7EB]  }
0xa9: {  	v6 =	vld.idx.msk [tilespmem:v0+s26+$0x400 ss:$0x1], $0xffff;
	s29 =	sadd.s32 s29, s24;
	s24 =	sld [smem:$0x7ED];
	s0 =	sadd.s32 s28, s19  }
0xaa: {  	v5 =	vld.idx.msk [tilespmem:v1+s2+$0x10 ss:$0x1], $0xffff;
	[dreg:$0x8] =	wrdreg s0  }
0xab: {  	s27 =	sand.u32 $0xC00, s17;
	[tilespmem:s14+$0x600 ss:$0x4] =	vst.msk $0xffff, v7;
	v7 =	vld.idx.msk [tilespmem:v1+s2+$0x20 ss:$0x1], $0xffff;
	s0 =	sadd.s32 s23, s21;
	s23 =	sld [smem:$0x7EC]  }
0xac: {  	v2 =	vld.idx.msk [tilespmem:v1+s2+$0x30 ss:$0x1], $0xffff;
	s30 =	sadd.s32 s30, s3;
	s3 =	sadd.s32 s27, s20;
	s27 =	sld [smem:$0x7EE]  }
.Ltmp3:
0xad: {  	[tilespmem:s14+$0x0 ss:$0x4] =	vst.msk $0xffff, v8;
	s17 =	sand.u32 $0xE00, s22;
	v3 =	vld.idx.msk [tilespmem:v1+s2+$0x40 ss:$0x1], $0xffff;
	s28 =	sld [smem:$0x7EF];
	(pc) =	sbr.rel @p1 .LBB1_4-.Ltmp3, $4  }
0xae: {  	s22 =	sadd.s32 $0x800, s22;
	[tilespmem:s14+$0x200 ss:$0x4] =	vst.msk $0xffff, v4;
	v4 =	vld.idx.msk [tilespmem:v1+s2+$0x50 ss:$0x1], $0xffff;
	[dreg:$0x5] =	wrdreg s0;
	s0 =	sadd.s32 s13, s23  }
0xaf: {  	s26 =	sadd.s32 $0x800, s26;
	[tilespmem:s14+$0x400 ss:$0x4] =	vst.msk $0xffff, v6;
	v6 =	vld.idx.msk [tilespmem:v1+s2+$0x60 ss:$0x1], $0xffff;
	[dreg:$0x6] =	wrdreg s0;
	s0 =	sadd.s32 s16, s27  }
0xb0: {  	[tilespmem:s14+$0x40 ss:$0x4] =	vst.msk $0xffff, v5;
	v5 =	vld.idx.msk [tilespmem:v1+s2+$0x70 ss:$0x1], $0xffff;
	s18 =	sadd.s32 s18, s24;
	s21 =	smov.u32 s14;
	[dreg:$0x7] =	wrdreg s0  }
0xb1: {  	s1 =	sadd.s32 s1, s28;
	[tilespmem:s21+$0x80 ss:$0x4] =	vst.msk $0xffff, v7;
	v7 =	vld.idx.msk [tilespmem:v1+s25+$0x10 ss:$0x1], $0xffff;
	s0 =	sadd.s32 s17, s11;
	s17 =	rddreg [dreg:$0x4]  }
0xb2: {  	_ =	sdelay $0x2  }
0xb3: {  	[tilespmem:s21+$0xC0 ss:$0x4] =	vst.msk $0xffff, v2  }
0xb4: {  	v2 =	vld.idx.msk [tilespmem:v1+s9+$0x20 ss:$0x1], $0xffff;
	[tilespmem:s21+$0x100 ss:$0x4] =	vst.msk $0xffff, v3  }
0xb5: {  	v3 =	vld.idx.msk [tilespmem:v1+s4+$0x30 ss:$0x1], $0xffff;
	[tilespmem:s21+$0x140 ss:$0x4] =	vst.msk $0xffff, v4  }
0xb6: {  	v53 =	vld.idx.msk [tilespmem:v1+s7+$0x40 ss:$0x1], $0xffff;
	[tilespmem:s21+$0x180 ss:$0x4] =	vst.msk $0xffff, v6  }
0xb7: {  	v54 =	vld.idx.msk [tilespmem:v1+s5+$0x50 ss:$0x1], $0xffff;
	[tilespmem:s21+$0x1C0 ss:$0x4] =	vst.msk $0xffff, v5  }
0xb8: {  	v55 =	vld.idx.msk [tilespmem:v1+s12+$0x60 ss:$0x1], $0xffff;
	[tilespmem:s21+$0x240 ss:$0x4] =	vst.msk $0xffff, v7  }
0xb9: {  	[tilespmem:s21+$0x280 ss:$0x4] =	vst.msk $0xffff, v2;
	v2 =	vld.idx.msk [tilespmem:v1+s31+$0x70 ss:$0x1], $0xffff  }
0xba: {  	[tilespmem:s21+$0x2C0 ss:$0x4] =	vst.msk $0xffff, v3;
	v3 =	vld.idx.msk [tilespmem:v1+s6+$0x10 ss:$0x1], $0xffff  }
0xbb: {  	v56 =	vld.idx.msk [tilespmem:v1+s10+$0x20 ss:$0x1], $0xffff;
	[tilespmem:s21+$0x300 ss:$0x4] =	vst.msk $0xffff, v53  }
0xbc: {  	v57 =	vld.idx.msk [tilespmem:v1+s8+$0x30 ss:$0x1], $0xffff;
	[tilespmem:s21+$0x340 ss:$0x4] =	vst.msk $0xffff, v54  }
0xbd: {  	v58 =	vld.idx.msk [tilespmem:v1+s29+$0x40 ss:$0x1], $0xffff;
	[tilespmem:s21+$0x380 ss:$0x4] =	vst.msk $0xffff, v55  }
0xbe: {  	v59 =	vld.idx.msk [tilespmem:v1+s30+$0x50 ss:$0x1], $0xffff;
	[tilespmem:s21+$0x3C0 ss:$0x4] =	vst.msk $0xffff, v2  }
0xbf: {  	s2 =	rddreg [dreg:$0x8];
	[tilespmem:s21+$0x440 ss:$0x4] =	vst.msk $0xffff, v3  }
0xc0: {  	v62 =	vld.idx.msk [tilespmem:v1+s18+$0x30 ss:$0x1], $0xffff;
	[tilespmem:s21+$0x480 ss:$0x4] =	vst.msk $0xffff, v56  }
0xc1: {  	v3 =	vld.idx.msk [tilespmem:v1+s3+$0x70 ss:$0x1], $0xffff;
	s28 =	rddreg [dreg:$0x5];
	[tilespmem:s21+$0x4C0 ss:$0x4] =	vst.msk $0xffff, v57  }
0xc2: {  	v2 =	vld.idx.msk [tilespmem:v1+s2+$0x60 ss:$0x1], $0xffff;
	s29 =	rddreg [dreg:$0x6];
	[tilespmem:s21+$0x500 ss:$0x4] =	vst.msk $0xffff, v58  }
0xc3: {  	v60 =	vld.idx.msk [tilespmem:v1+s28+$0x10 ss:$0x1], $0xffff;
	[tilespmem:s21+$0x540 ss:$0x4] =	vst.msk $0xffff, v59  }
0xc4: {  	v61 =	vld.idx.msk [tilespmem:v1+s29+$0x20 ss:$0x1], $0xffff;
	s30 =	rddreg [dreg:$0x7]  }
0xc5: {  	[tilespmem:s21+$0x6C0 ss:$0x4] =	vst.msk $0xffff, v62;
	v63 =	vld.idx.msk [tilespmem:v1+s30+$0x40 ss:$0x1], $0xffff  }
0xc6: {  	[tilespmem:s21+$0x5C0 ss:$0x4] =	vst.msk $0xffff, v3  }
0xc7: {  	[tilespmem:s21+$0x580 ss:$0x4] =	vst.msk $0xffff, v2  }
0xc8: {  	[tilespmem:s21+$0x640 ss:$0x4] =	vst.msk $0xffff, v60  }
0xc9: {  	v2 =	vld.idx.msk [tilespmem:v1+s1+$0x50 ss:$0x1], $0xffff;
	[tilespmem:s21+$0x680 ss:$0x4] =	vst.msk $0xffff, v61  }
0xca: {  	v1 =	vld.idx.msk [tilespmem:v1+s0+$0x70 ss:$0x1], $0xffff;
	[tilespmem:s21+$0x700 ss:$0x4] =	vst.msk $0xffff, v63  }
0xcb: {  	s31 =	sld [smem:$0x7F0];
	_ =	sdelay $0x2  }
0xcc: {  	[tilespmem:s21+$0x740 ss:$0x4] =	vst.msk $0xffff, v2;
	s0 =	sadd.s32 $0x1, s31  }
0xcd: {  	[tilespmem:s21+$0x7C0 ss:$0x4] =	vst.msk $0xffff, v1;
	p1 =	sne.s32 s0, $0x4  }
.Ltmp4:
0xce: {  	s17 =	sld [smem:$0x7F2];
	(pc) =	sbr.rel @p1 .LBB1_3-.Ltmp4, $2  }
0xcf: {  	s19 =	sld [smem:$0x7F1];
	_ =	sdelay $0x2  }
0xd0: {  	s8 =	rddreg [dreg:$0x2];
	s17 =	sadd.s32 $0x1, s17;
	s19 =	sadd.s32 $0x80, s19  }
0xd1: {  	s0 =	sld [smem:$0x7F3]  }
0xd2: {  	s3 =	sld [smem:$0x7F4]  }
0xd3: {  	s28 =	sld [smem:$0x7F9]  }
0xd4: {  	s31 =	sld [smem:$0x7F8]  }
0xd5: {  	s4 =	sld [smem:$0x7FA]  }
0xd6: {  	s5 =	sld [smem:$0x7FB]  }
0xd7: {  	s30 =	simm.s32 $0x80;
	s6 =	sld [smem:$0x7FC]  }
0xd8: {  	s7 =	sld [smem:$0x7FD];
	s0 =	sshll.u32 s0, $0x7;
	s1 =	sshll.u32 s3, $0x3  }
0xd9: {  	s8 =	sld [smem:$0x7F6];
	s2 =	sand.u32 $0x7FFFFC00, s0;
	s1 =	sand.u32 $0x7FFFFC00, s1  }
0xda: {  	s9 =	sld [smem:$0x7F5];
	s0 =	sand.u32 $0x380, s0;
	s1 =	sadd.s32 s1, s2  }
.Ltmp5:
0xdb: {  	s26 =	sshrl.u32 s3, $0x3;
	s0 =	sor.u32 s0, s1;
	(pc) =	sbr.rel .LBB1_7-.Ltmp5, $4  }
0xdc: {  	s27 =	sand.u32 $0x7, s3;
	s1 =	sand.u32 $0xF, s26;
	s0 =	sshrl.u32 s0, $0x3  }
0xdd: {  	s2 =	sshll.u32 s27, $0x12;
	s1 =	sadd.s32 s28, s1;
	s0 =	sand.u32 $0xFFFFFF0, s0  }
0xde: {  	s10 =	sld [smem:$0x7F7];
	s29 =	sor.u32 $0x4, s2;
	s0 =	sadd.s32 s0, s1  }
0xdf: {  	[hbm4b:s0+s29] =	stream.strided.scatter [tilespmem:s31], [sflag:$0x2], $0x4000, s30, s29, $0x38;
	[tilespmem:$0x10000] =	vst v63  }
.LBB1_8:
0xe0: {  	_ =	sfence.sel $0x180000  }
0xe1: {  	s0 =	simm.s32 $0x1;
	[bflag:$0x0] =	sbarrier.arrive $0xFFFF  }
0xe2: {  	s30 =	simm.s32 $0x2;
	[sflag:s0] =	ssyncpa.u1 $0x1  }
0xe3: {  	[sflag:s30] =	ssyncpa.u1 $0x1  }
0xe4: {  	_ =	strace $0x90000047  }
0xe5: {  	s31 =	stileid.u32;
	[bflag:$0x2] =	sbarrier.arrive $0xFFFF  }
0xe6: {  	p0 =	sne.s32 s31, $0x0;
	s0 =	rddreg [dreg:$0x1]  }
0xe7: {  	s0 =	sadd.s32 @!p0 $0x100000, s0  }
0xe8: {  	[sflag:s0] =	ssyncadd.tile.s32 @!p0 $0x1;
	_ =	shalt  }
.Lfunc_end1:
_tile_overlayer_lowered:
.L_overlay_start_2:
0xe9: {  	(tag) =	ssettag $0x2  }
0xea: {  	s0 =	rddreg [dreg:$0x0];
	s2 =	stileid.u32  }
0xeb: {  	s1 =	rddreg [dreg:$0x1];
	p0 =	sne.s32 s2, $0x0  }
0xec: {  	s3 =	rddreg [dreg:$0x2];
	[bflag:$0x3] =	sbarrier.arrive $0xFFFF;
	s2 =	simm.s32 @!p0 $0x1C01  }
0xed: {  	[timem:s3], [sflag:s2] =	dma.local @!p0 [hbm:s0], s1  }
0xee: {  	s0 =	simm.s32 @!p0 $0x1  }
0xef: {  	_ =	swait.ge @!p0 [sflag:s0], s1  }
0xf0: {  	s1 =	ssub.s32 @!p0 $0x0, s1;
	[sflag:s0] =	ssyncset.done @!p0 $0x0  }
0xf1: {  	[sflag:s0] =	ssyncadd.s32 @!p0 s1  }
0xf2: {  	[bflag:$0x3] =	sbarrier.arrive $0xFFFF  }
0xf3: {  	_ =	shalt  }

</sc_bundles>
